<compile_context>
chip_gen: v7x
topology: tpu7x:2x2x1
jax: 0.10.2.dev20260603
libtpu: 0.0.44.dev20260713+nightly
codegen_flags: <defaults>
</compile_context>

<pallas_src>
import functools

import jax
import jax.numpy as jnp
from jax import lax
from jax.experimental import pallas as pl
from jax.experimental.pallas import tpu as pltpu
from jax.experimental.pallas import tpu_sc as plsc

VOCAB = 100000
EMBEDDING_DIM = 128
MINIBATCH = 4096
NGRAM = 5
HDIM = 2048
TAGS = 1000

TOTAL_ROWS = MINIBATCH * NGRAM

try:
    _info = plsc.get_sparse_core_info()
    _NC, _NS = _info.num_cores, _info.num_subcores
except Exception:
    _NC, _NS = 2, 16
_NW = _NC * _NS
_BATCH_PER_W = MINIBATCH // _NW
_IDX_CHUNK = _BATCH_PER_W
_N_CHUNKS = NGRAM


def _make_gather():
    mesh = plsc.VectorSubcoreMesh(core_axis_name="c", subcore_axis_name="s")

    @functools.partial(
        pl.kernel,
        mesh=mesh,
        out_type=jax.ShapeDtypeStruct((NGRAM, MINIBATCH, EMBEDDING_DIM),
                                      jnp.float32),
        scratch_types=[
            pltpu.VMEM((_N_CHUNKS, _IDX_CHUNK), jnp.int32),
            pltpu.VMEM((NGRAM * _BATCH_PER_W, EMBEDDING_DIM), jnp.float32),
            pltpu.SemaphoreType.DMA,
        ],
    )
    def gather_k(idx_hbm, table_hbm, out_hbm, idx_v, rows_v, sem):
        wid = lax.axis_index("s") * _NC + lax.axis_index("c")
        base = wid * _BATCH_PER_W
        pltpu.sync_copy(idx_hbm.at[wid], idx_v)
        copies = []
        for j in range(_N_CHUNKS):
            copies.append(
                pltpu.async_copy(
                    table_hbm.at[idx_v.at[j]],
                    rows_v.at[pl.ds(j * _IDX_CHUNK, _IDX_CHUNK)],
                    sem,
                )
            )
        for c in copies:
            c.wait()
        for j in range(NGRAM):
            pltpu.sync_copy(
                rows_v.at[pl.ds(j * _BATCH_PER_W, _BATCH_PER_W)],
                out_hbm.at[j, pl.ds(base, _BATCH_PER_W)],
            )

    return gather_k


_gather_cache = []


def _get_gather():
    if not _gather_cache:
        _gather_cache.append(_make_gather())
    return _gather_cache[0]


def _mlp_body(x_ref, w1_ref, b1_ref, w2t_ref, b2t_ref, o_ref):
    xw = jnp.concatenate(
        [x_ref[j].astype(jnp.bfloat16) for j in range(NGRAM)], axis=1
    )
    h = jnp.tanh(
        jnp.dot(xw, w1_ref[...], preferred_element_type=jnp.float32)
        + b1_ref[...]
    )
    o_ref[...] = (
        lax.dot_general(
            w2t_ref[...], h.astype(jnp.bfloat16),
            (((1,), (1,)), ((), ())),
            preferred_element_type=jnp.float32,
        )
        + b2t_ref[...]
    )


_BM = 512


def _mlp(x, W1, b1, W2t, b2):
    grid = (MINIBATCH // _BM,)
    return pl.pallas_call(
        _mlp_body,
        grid=grid,
        in_specs=[
            pl.BlockSpec((NGRAM, _BM, EMBEDDING_DIM), lambda i: (0, i, 0)),
            pl.BlockSpec((NGRAM * EMBEDDING_DIM, HDIM), lambda i: (0, 0)),
            pl.BlockSpec((1, HDIM), lambda i: (0, 0)),
            pl.BlockSpec((TAGS, HDIM), lambda i: (0, 0)),
            pl.BlockSpec((TAGS, 1), lambda i: (0, 0)),
        ],
        out_specs=pl.BlockSpec((TAGS, _BM), lambda i: (0, i)),
        out_shape=jax.ShapeDtypeStruct((TAGS, MINIBATCH), jnp.float32),
    )(x, W1, b1.reshape(1, HDIM), W2t, b2.reshape(TAGS, 1))


def kernel(emb, W1, b1, W2, b2, inputs):
    idx = (
        inputs.astype(jnp.int32)
        .reshape(_NW, _BATCH_PER_W, NGRAM)
        .transpose(0, 2, 1)
    )
    x = _get_gather()(idx, emb)
    w1 = W1.astype(jnp.bfloat16)
    w2t = W2.T.astype(jnp.bfloat16)
    out_t = _mlp(x, w1, b1, w2t, b2)
    return out_t.T

# --- scband reference (transcript-rebuilt; emitter-appended) ---
"""Pipeline reference for scband-ngram-modeler-69114613728671 (READ-ONLY COPY).

The authoritative reference and input builder live on the scoring server;
editing this copy changes nothing except your own understanding.
"""

import jax, jax.numpy as jnp
import numpy as np

VOCAB = 100000
TAGS = 1000
EMBEDDING_DIM = 128
MINIBATCH = 4096
NGRAM = 5
HDIM = 2048

def setup_inputs(seed: int = 0) -> dict:
    key = jax.random.key(seed)
    k1, k2, k3, k4, k5, k6 = jax.random.split(key, 6)
    inputs = jax.random.randint(k1, (MINIBATCH, NGRAM), 0, VOCAB, dtype=jnp.int64) if jax.config.jax_enable_x64 else jax.random.randint(k1, (MINIBATCH, NGRAM), 0, VOCAB, dtype=jnp.int32)
    emb = jax.random.normal(k2, (VOCAB, EMBEDDING_DIM), dtype=jnp.float32)
    W1 = jax.random.normal(k3, (NGRAM * EMBEDDING_DIM, HDIM), dtype=jnp.float32) * (1.0 / np.sqrt(NGRAM * EMBEDDING_DIM))
    b1 = jax.random.normal(k4, (HDIM,), dtype=jnp.float32) * 0.01
    W2 = jax.random.normal(k5, (HDIM, TAGS), dtype=jnp.float32) * (1.0 / np.sqrt(HDIM))
    b2 = jax.random.normal(k6, (TAGS,), dtype=jnp.float32) * 0.01
    return {"emb": emb, "W1": W1, "b1": b1, "W2": W2, "b2": b2, "inputs": inputs}

def reference(emb, W1, b1, W2, b2, inputs):
    # embedding lookup (gather)
    embeds = jnp.take(emb, inputs, axis=0)  # [MINIBATCH, NGRAM, EMBEDDING_DIM]
    # with_feature=False path: view to (MINIBATCH, NGRAM*EMBEDDING_DIM)
    embeds = embeds.reshape(MINIBATCH, NGRAM * EMBEDDING_DIM)
    # dropout layers are identity in eval mode
    out = jnp.tanh(embeds @ W1 + b1)
    out = out @ W2 + b2
    return out

if __name__ == "__main__":
    import jax
    _d = setup_inputs()
    print(jax.jit(kernel)(*tuple(_d.values())))

</pallas_src>

<mosaic_0001>
#map = affine_map<(d0, d1) -> (0, 0, 0)>
#map1 = affine_map<(d0, d1) -> (0, 0)>
module attributes {stable_mosaic.version = 14 : i64} {
  func.func @gather_k(%arg0: i32, %arg1: i32, %arg2: memref<32x5x128xi32, #tpu.memory_space<hbm>>, %arg3: memref<100000x128xf32, #tpu.memory_space<hbm>>, %arg4: memref<5x4096x128xf32, #tpu.memory_space<hbm>>, %arg5: memref<5x128xi32, #tpu.memory_space<vmem>>, %arg6: memref<640x128xf32, #tpu.memory_space<vmem>>, %arg7: memref<!tpu.dma_semaphore, #tpu.memory_space<semaphore_mem>>) attributes {dimension_semantics = [#tpu.dimension_semantics<core_parallel>, #tpu.dimension_semantics<subcore_parallel>], iteration_bounds = array<i64: 2, 16>, scalar_prefetch = 0 : i64, scratch_operands = 3 : i64, tpu.core_type = #tpu.core_type<sc_vector_subcore>, window_params = [{transform_indices = #map}, {transform_indices = #map1}, {transform_indices = #map}]} {
    %mul3A = arith.constant 2 : i32
    %mul3A_0 = arith.muli %arg1, %mul3A : i32
    %add3A = arith.addi %mul3A_0, %arg0 : i32
    %mul3A_1 = arith.constant 128 : i32
    %mul3A_2 = arith.muli %add3A, %mul3A_1 : i32
    "tpu.region"() ({
      %run_scoped3A_105 = tpu.sem_alloc : memref<!tpu.dma_semaphore, #tpu.memory_space<semaphore_mem>>
      %dma_start3A_106 = arith.constant 0 : i32
      %dma_start3A_107 = arith.constant 0 : i32
      %dma_start3A_108 = tpu.memref_slice %arg2[%add3A, %dma_start3A_106, %dma_start3A_107] : memref<32x5x128xi32, #tpu.memory_space<hbm>> -> memref<1x5x128xi32, #tpu.memory_space<hbm>>
      %dma_start3A_109 = tpu.memref_squeeze %dma_start3A_108 : memref<1x5x128xi32, #tpu.memory_space<hbm>> -> memref<5x128xi32, #tpu.memory_space<hbm>>
      %dma_start3A_110 = arith.constant 0 : i32
      %dma_start3A_111 = arith.constant 0 : i32
      %dma_start3A_112 = tpu.memref_slice %arg2[%add3A, %dma_start3A_110, %dma_start3A_111] : memref<32x5x128xi32, #tpu.memory_space<hbm>> -> memref<1x5x128xi32, #tpu.memory_space<hbm>>
      %dma_start3A_113 = tpu.memref_squeeze %dma_start3A_112 : memref<1x5x128xi32, #tpu.memory_space<hbm>> -> memref<5x128xi32, #tpu.memory_space<hbm>>
      tpu.enqueue_dma source(%dma_start3A_113 : memref<5x128xi32, #tpu.memory_space<hbm>>) target(%arg5 : memref<5x128xi32, #tpu.memory_space<vmem>>) target_semaphore(%run_scoped3A_105 : memref<!tpu.dma_semaphore, #tpu.memory_space<semaphore_mem>>)
      %dma_wait3A_114 = arith.constant 0 : i32
      %dma_wait3A_115 = arith.constant 0 : i32
      %dma_wait3A_116 = tpu.memref_slice %arg2[%add3A, %dma_wait3A_114, %dma_wait3A_115] : memref<32x5x128xi32, #tpu.memory_space<hbm>> -> memref<1x5x128xi32, #tpu.memory_space<hbm>>
      %dma_wait3A_117 = tpu.memref_squeeze %dma_wait3A_116 : memref<1x5x128xi32, #tpu.memory_space<hbm>> -> memref<5x128xi32, #tpu.memory_space<hbm>>
      %dma_wait3A_118 = arith.constant 0 : i32
      %dma_wait3A_119 = arith.constant 0 : i32
      %dma_wait3A_120 = tpu.memref_slice %arg2[%add3A, %dma_wait3A_118, %dma_wait3A_119] : memref<32x5x128xi32, #tpu.memory_space<hbm>> -> memref<1x5x128xi32, #tpu.memory_space<hbm>>
      %dma_wait3A_121 = tpu.memref_squeeze %dma_wait3A_120 : memref<1x5x128xi32, #tpu.memory_space<hbm>> -> memref<5x128xi32, #tpu.memory_space<hbm>>
      tpu.wait_dma2 semaphore(%run_scoped3A_105 : memref<!tpu.dma_semaphore, #tpu.memory_space<semaphore_mem>>) src(%dma_wait3A_121 : memref<5x128xi32, #tpu.memory_space<hbm>>) dst(%arg5 : memref<5x128xi32, #tpu.memory_space<vmem>>)
      tpu.yield
    }) : () -> ()
    %dma_start3A = arith.constant 0 : i32
    %dma_start3A_3 = arith.constant 0 : i32
    %dma_start3A_4 = arith.constant 0 : i32
    %dma_start3A_5 = tpu.memref_slice %arg6[%dma_start3A_3, %dma_start3A_4] : memref<640x128xf32, #tpu.memory_space<vmem>> -> memref<128x128xf32, #tpu.memory_space<vmem>>
    %dma_start3A_6 = arith.constant 0 : i32
    %dma_start3A_7 = tpu.memref_slice %arg5[%dma_start3A, %dma_start3A_6] : memref<5x128xi32, #tpu.memory_space<vmem>> -> memref<1x128xi32, #tpu.memory_space<vmem>>
    %dma_start3A_8 = tpu.memref_squeeze %dma_start3A_7 : memref<1x128xi32, #tpu.memory_space<vmem>> -> memref<128xi32, #tpu.memory_space<vmem>>
    %dma_start3A_9 = arith.constant 0 : i32
    %dma_start3A_10 = arith.constant 0 : i32
    %dma_start3A_11 = tpu.memref_slice %arg3[%dma_start3A_9, %dma_start3A_10] : memref<100000x128xf32, #tpu.memory_space<hbm>> -> memref<100000x128xf32, #tpu.memory_space<hbm>>
    tpu.enqueue_indirect_dma source(%dma_start3A_11 : memref<100000x128xf32, #tpu.memory_space<hbm>>) target(%dma_start3A_5 : memref<128x128xf32, #tpu.memory_space<vmem>>) offsets(%dma_start3A_8 : memref<128xi32, #tpu.memory_space<vmem>>) semaphore(%arg7 : memref<!tpu.dma_semaphore, #tpu.memory_space<semaphore_mem>>)
    %dma_start3A_12 = arith.constant 1 : i32
    %dma_start3A_13 = arith.constant 128 : i32
    %dma_start3A_14 = arith.constant 0 : i32
    %dma_start3A_15 = tpu.memref_slice %arg6[%dma_start3A_13, %dma_start3A_14] : memref<640x128xf32, #tpu.memory_space<vmem>> -> memref<128x128xf32, #tpu.memory_space<vmem>>
    %dma_start3A_16 = arith.constant 0 : i32
    %dma_start3A_17 = tpu.memref_slice %arg5[%dma_start3A_12, %dma_start3A_16] : memref<5x128xi32, #tpu.memory_space<vmem>> -> memref<1x128xi32, #tpu.memory_space<vmem>>
    %dma_start3A_18 = tpu.memref_squeeze %dma_start3A_17 : memref<1x128xi32, #tpu.memory_space<vmem>> -> memref<128xi32, #tpu.memory_space<vmem>>
    %dma_start3A_19 = arith.constant 0 : i32
    %dma_start3A_20 = arith.constant 0 : i32
    %dma_start3A_21 = tpu.memref_slice %arg3[%dma_start3A_19, %dma_start3A_20] : memref<100000x128xf32, #tpu.memory_space<hbm>> -> memref<100000x128xf32, #tpu.memory_space<hbm>>
    tpu.enqueue_indirect_dma source(%dma_start3A_21 : memref<100000x128xf32, #tpu.memory_space<hbm>>) target(%dma_start3A_15 : memref<128x128xf32, #tpu.memory_space<vmem>>) offsets(%dma_start3A_18 : memref<128xi32, #tpu.memory_space<vmem>>) semaphore(%arg7 : memref<!tpu.dma_semaphore, #tpu.memory_space<semaphore_mem>>)
    %dma_start3A_22 = arith.constant 2 : i32
    %dma_start3A_23 = arith.constant 256 : i32
    %dma_start3A_24 = arith.constant 0 : i32
    %dma_start3A_25 = tpu.memref_slice %arg6[%dma_start3A_23, %dma_start3A_24] : memref<640x128xf32, #tpu.memory_space<vmem>> -> memref<128x128xf32, #tpu.memory_space<vmem>>
    %dma_start3A_26 = arith.constant 0 : i32
    %dma_start3A_27 = tpu.memref_slice %arg5[%dma_start3A_22, %dma_start3A_26] : memref<5x128xi32, #tpu.memory_space<vmem>> -> memref<1x128xi32, #tpu.memory_space<vmem>>
    %dma_start3A_28 = tpu.memref_squeeze %dma_start3A_27 : memref<1x128xi32, #tpu.memory_space<vmem>> -> memref<128xi32, #tpu.memory_space<vmem>>
    %dma_start3A_29 = arith.constant 0 : i32
    %dma_start3A_30 = arith.constant 0 : i32
    %dma_start3A_31 = tpu.memref_slice %arg3[%dma_start3A_29, %dma_start3A_30] : memref<100000x128xf32, #tpu.memory_space<hbm>> -> memref<100000x128xf32, #tpu.memory_space<hbm>>
    tpu.enqueue_indirect_dma source(%dma_start3A_31 : memref<100000x128xf32, #tpu.memory_space<hbm>>) target(%dma_start3A_25 : memref<128x128xf32, #tpu.memory_space<vmem>>) offsets(%dma_start3A_28 : memref<128xi32, #tpu.memory_space<vmem>>) semaphore(%arg7 : memref<!tpu.dma_semaphore, #tpu.memory_space<semaphore_mem>>)
    %dma_start3A_32 = arith.constant 3 : i32
    %dma_start3A_33 = arith.constant 384 : i32
    %dma_start3A_34 = arith.constant 0 : i32
    %dma_start3A_35 = tpu.memref_slice %arg6[%dma_start3A_33, %dma_start3A_34] : memref<640x128xf32, #tpu.memory_space<vmem>> -> memref<128x128xf32, #tpu.memory_space<vmem>>
    %dma_start3A_36 = arith.constant 0 : i32
    %dma_start3A_37 = tpu.memref_slice %arg5[%dma_start3A_32, %dma_start3A_36] : memref<5x128xi32, #tpu.memory_space<vmem>> -> memref<1x128xi32, #tpu.memory_space<vmem>>
    %dma_start3A_38 = tpu.memref_squeeze %dma_start3A_37 : memref<1x128xi32, #tpu.memory_space<vmem>> -> memref<128xi32, #tpu.memory_space<vmem>>
    %dma_start3A_39 = arith.constant 0 : i32
    %dma_start3A_40 = arith.constant 0 : i32
    %dma_start3A_41 = tpu.memref_slice %arg3[%dma_start3A_39, %dma_start3A_40] : memref<100000x128xf32, #tpu.memory_space<hbm>> -> memref<100000x128xf32, #tpu.memory_space<hbm>>
    tpu.enqueue_indirect_dma source(%dma_start3A_41 : memref<100000x128xf32, #tpu.memory_space<hbm>>) target(%dma_start3A_35 : memref<128x128xf32, #tpu.memory_space<vmem>>) offsets(%dma_start3A_38 : memref<128xi32, #tpu.memory_space<vmem>>) semaphore(%arg7 : memref<!tpu.dma_semaphore, #tpu.memory_space<semaphore_mem>>)
    %dma_start3A_42 = arith.constant 4 : i32
    %dma_start3A_43 = arith.constant 512 : i32
    %dma_start3A_44 = arith.constant 0 : i32
    %dma_start3A_45 = tpu.memref_slice %arg6[%dma_start3A_43, %dma_start3A_44] : memref<640x128xf32, #tpu.memory_space<vmem>> -> memref<128x128xf32, #tpu.memory_space<vmem>>
    %dma_start3A_46 = arith.constant 0 : i32
    %dma_start3A_47 = tpu.memref_slice %arg5[%dma_start3A_42, %dma_start3A_46] : memref<5x128xi32, #tpu.memory_space<vmem>> -> memref<1x128xi32, #tpu.memory_space<vmem>>
    %dma_start3A_48 = tpu.memref_squeeze %dma_start3A_47 : memref<1x128xi32, #tpu.memory_space<vmem>> -> memref<128xi32, #tpu.memory_space<vmem>>
    %dma_start3A_49 = arith.constant 0 : i32
    %dma_start3A_50 = arith.constant 0 : i32
    %dma_start3A_51 = tpu.memref_slice %arg3[%dma_start3A_49, %dma_start3A_50] : memref<100000x128xf32, #tpu.memory_space<hbm>> -> memref<100000x128xf32, #tpu.memory_space<hbm>>
    tpu.enqueue_indirect_dma source(%dma_start3A_51 : memref<100000x128xf32, #tpu.memory_space<hbm>>) target(%dma_start3A_45 : memref<128x128xf32, #tpu.memory_space<vmem>>) offsets(%dma_start3A_48 : memref<128xi32, #tpu.memory_space<vmem>>) semaphore(%arg7 : memref<!tpu.dma_semaphore, #tpu.memory_space<semaphore_mem>>)
    %dma_wait3A = arith.constant 0 : i32
    %dma_wait3A_52 = arith.constant 0 : i32
    %dma_wait3A_53 = arith.constant 0 : i32
    %dma_wait3A_54 = tpu.memref_slice %arg6[%dma_wait3A_52, %dma_wait3A_53] : memref<640x128xf32, #tpu.memory_space<vmem>> -> memref<128x128xf32, #tpu.memory_space<vmem>>
    %dma_wait3A_55 = arith.constant 0 : i32
    %dma_wait3A_56 = tpu.memref_slice %arg5[%dma_wait3A, %dma_wait3A_55] : memref<5x128xi32, #tpu.memory_space<vmem>> -> memref<1x128xi32, #tpu.memory_space<vmem>>
    %dma_wait3A_57 = tpu.memref_squeeze %dma_wait3A_56 : memref<1x128xi32, #tpu.memory_space<vmem>> -> memref<128xi32, #tpu.memory_space<vmem>>
    %dma_wait3A_58 = arith.constant 0 : i32
    %dma_wait3A_59 = arith.constant 0 : i32
    %dma_wait3A_60 = tpu.memref_slice %arg3[%dma_wait3A_58, %dma_wait3A_59] : memref<100000x128xf32, #tpu.memory_space<hbm>> -> memref<100000x128xf32, #tpu.memory_space<hbm>>
    tpu.wait_indirect_dma semaphore(%arg7 : memref<!tpu.dma_semaphore, #tpu.memory_space<semaphore_mem>>) src(%dma_wait3A_60 : memref<100000x128xf32, #tpu.memory_space<hbm>>) dst(%dma_wait3A_54 : memref<128x128xf32, #tpu.memory_space<vmem>>)
    %dma_wait3A_61 = arith.constant 1 : i32
    %dma_wait3A_62 = arith.constant 128 : i32
    %dma_wait3A_63 = arith.constant 0 : i32
    %dma_wait3A_64 = tpu.memref_slice %arg6[%dma_wait3A_62, %dma_wait3A_63] : memref<640x128xf32, #tpu.memory_space<vmem>> -> memref<128x128xf32, #tpu.memory_space<vmem>>
    %dma_wait3A_65 = arith.constant 0 : i32
    %dma_wait3A_66 = tpu.memref_slice %arg5[%dma_wait3A_61, %dma_wait3A_65] : memref<5x128xi32, #tpu.memory_space<vmem>> -> memref<1x128xi32, #tpu.memory_space<vmem>>
    %dma_wait3A_67 = tpu.memref_squeeze %dma_wait3A_66 : memref<1x128xi32, #tpu.memory_space<vmem>> -> memref<128xi32, #tpu.memory_space<vmem>>
    %dma_wait3A_68 = arith.constant 0 : i32
    %dma_wait3A_69 = arith.constant 0 : i32
    %dma_wait3A_70 = tpu.memref_slice %arg3[%dma_wait3A_68, %dma_wait3A_69] : memref<100000x128xf32, #tpu.memory_space<hbm>> -> memref<100000x128xf32, #tpu.memory_space<hbm>>
    tpu.wait_indirect_dma semaphore(%arg7 : memref<!tpu.dma_semaphore, #tpu.memory_space<semaphore_mem>>) src(%dma_wait3A_70 : memref<100000x128xf32, #tpu.memory_space<hbm>>) dst(%dma_wait3A_64 : memref<128x128xf32, #tpu.memory_space<vmem>>)
    %dma_wait3A_71 = arith.constant 2 : i32
    %dma_wait3A_72 = arith.constant 256 : i32
    %dma_wait3A_73 = arith.constant 0 : i32
    %dma_wait3A_74 = tpu.memref_slice %arg6[%dma_wait3A_72, %dma_wait3A_73] : memref<640x128xf32, #tpu.memory_space<vmem>> -> memref<128x128xf32, #tpu.memory_space<vmem>>
    %dma_wait3A_75 = arith.constant 0 : i32
    %dma_wait3A_76 = tpu.memref_slice %arg5[%dma_wait3A_71, %dma_wait3A_75] : memref<5x128xi32, #tpu.memory_space<vmem>> -> memref<1x128xi32, #tpu.memory_space<vmem>>
    %dma_wait3A_77 = tpu.memref_squeeze %dma_wait3A_76 : memref<1x128xi32, #tpu.memory_space<vmem>> -> memref<128xi32, #tpu.memory_space<vmem>>
    %dma_wait3A_78 = arith.constant 0 : i32
    %dma_wait3A_79 = arith.constant 0 : i32
    %dma_wait3A_80 = tpu.memref_slice %arg3[%dma_wait3A_78, %dma_wait3A_79] : memref<100000x128xf32, #tpu.memory_space<hbm>> -> memref<100000x128xf32, #tpu.memory_space<hbm>>
    tpu.wait_indirect_dma semaphore(%arg7 : memref<!tpu.dma_semaphore, #tpu.memory_space<semaphore_mem>>) src(%dma_wait3A_80 : memref<100000x128xf32, #tpu.memory_space<hbm>>) dst(%dma_wait3A_74 : memref<128x128xf32, #tpu.memory_space<vmem>>)
    %dma_wait3A_81 = arith.constant 3 : i32
    %dma_wait3A_82 = arith.constant 384 : i32
    %dma_wait3A_83 = arith.constant 0 : i32
    %dma_wait3A_84 = tpu.memref_slice %arg6[%dma_wait3A_82, %dma_wait3A_83] : memref<640x128xf32, #tpu.memory_space<vmem>> -> memref<128x128xf32, #tpu.memory_space<vmem>>
    %dma_wait3A_85 = arith.constant 0 : i32
    %dma_wait3A_86 = tpu.memref_slice %arg5[%dma_wait3A_81, %dma_wait3A_85] : memref<5x128xi32, #tpu.memory_space<vmem>> -> memref<1x128xi32, #tpu.memory_space<vmem>>
    %dma_wait3A_87 = tpu.memref_squeeze %dma_wait3A_86 : memref<1x128xi32, #tpu.memory_space<vmem>> -> memref<128xi32, #tpu.memory_space<vmem>>
    %dma_wait3A_88 = arith.constant 0 : i32
    %dma_wait3A_89 = arith.constant 0 : i32
    %dma_wait3A_90 = tpu.memref_slice %arg3[%dma_wait3A_88, %dma_wait3A_89] : memref<100000x128xf32, #tpu.memory_space<hbm>> -> memref<100000x128xf32, #tpu.memory_space<hbm>>
    tpu.wait_indirect_dma semaphore(%arg7 : memref<!tpu.dma_semaphore, #tpu.memory_space<semaphore_mem>>) src(%dma_wait3A_90 : memref<100000x128xf32, #tpu.memory_space<hbm>>) dst(%dma_wait3A_84 : memref<128x128xf32, #tpu.memory_space<vmem>>)
    %dma_wait3A_91 = arith.constant 4 : i32
    %dma_wait3A_92 = arith.constant 512 : i32
    %dma_wait3A_93 = arith.constant 0 : i32
    %dma_wait3A_94 = tpu.memref_slice %arg6[%dma_wait3A_92, %dma_wait3A_93] : memref<640x128xf32, #tpu.memory_space<vmem>> -> memref<128x128xf32, #tpu.memory_space<vmem>>
    %dma_wait3A_95 = arith.constant 0 : i32
    %dma_wait3A_96 = tpu.memref_slice %arg5[%dma_wait3A_91, %dma_wait3A_95] : memref<5x128xi32, #tpu.memory_space<vmem>> -> memref<1x128xi32, #tpu.memory_space<vmem>>
    %dma_wait3A_97 = tpu.memref_squeeze %dma_wait3A_96 : memref<1x128xi32, #tpu.memory_space<vmem>> -> memref<128xi32, #tpu.memory_space<vmem>>
    %dma_wait3A_98 = arith.constant 0 : i32
    %dma_wait3A_99 = arith.constant 0 : i32
    %dma_wait3A_100 = tpu.memref_slice %arg3[%dma_wait3A_98, %dma_wait3A_99] : memref<100000x128xf32, #tpu.memory_space<hbm>> -> memref<100000x128xf32, #tpu.memory_space<hbm>>
    tpu.wait_indirect_dma semaphore(%arg7 : memref<!tpu.dma_semaphore, #tpu.memory_space<semaphore_mem>>) src(%dma_wait3A_100 : memref<100000x128xf32, #tpu.memory_space<hbm>>) dst(%dma_wait3A_94 : memref<128x128xf32, #tpu.memory_space<vmem>>)
    %run_scoped3A = arith.constant 0 : i32
    "tpu.region"() ({
      %run_scoped3A_105 = tpu.sem_alloc : memref<!tpu.dma_semaphore, #tpu.memory_space<semaphore_mem>>
      %dma_start3A_106 = arith.constant 0 : i32
      %dma_start3A_107 = arith.constant 0 : i32
      %dma_start3A_108 = tpu.memref_slice %arg6[%dma_start3A_106, %dma_start3A_107] : memref<640x128xf32, #tpu.memory_space<vmem>> -> memref<128x128xf32, #tpu.memory_space<vmem>>
      %dma_start3A_109 = arith.constant 0 : i32
      %dma_start3A_110 = tpu.memref_slice %arg4[%run_scoped3A, %mul3A_2, %dma_start3A_109] : memref<5x4096x128xf32, #tpu.memory_space<hbm>> -> memref<1x128x128xf32, #tpu.memory_space<hbm>>
      %dma_start3A_111 = tpu.memref_squeeze %dma_start3A_110 : memref<1x128x128xf32, #tpu.memory_space<hbm>> -> memref<128x128xf32, #tpu.memory_space<hbm>>
      %dma_start3A_112 = arith.constant 0 : i32
      %dma_start3A_113 = tpu.memref_slice %arg4[%run_scoped3A, %mul3A_2, %dma_start3A_112] : memref<5x4096x128xf32, #tpu.memory_space<hbm>> -> memref<1x128x128xf32, #tpu.memory_space<hbm>>
      %dma_start3A_114 = tpu.memref_squeeze %dma_start3A_113 : memref<1x128x128xf32, #tpu.memory_space<hbm>> -> memref<128x128xf32, #tpu.memory_space<hbm>>
      %dma_start3A_115 = arith.constant 0 : i32
      %dma_start3A_116 = arith.constant 0 : i32
      %dma_start3A_117 = tpu.memref_slice %arg6[%dma_start3A_115, %dma_start3A_116] : memref<640x128xf32, #tpu.memory_space<vmem>> -> memref<128x128xf32, #tpu.memory_space<vmem>>
      tpu.enqueue_dma source(%dma_start3A_117 : memref<128x128xf32, #tpu.memory_space<vmem>>) target(%dma_start3A_114 : memref<128x128xf32, #tpu.memory_space<hbm>>) target_semaphore(%run_scoped3A_105 : memref<!tpu.dma_semaphore, #tpu.memory_space<semaphore_mem>>)
      %dma_wait3A_118 = arith.constant 0 : i32
      %dma_wait3A_119 = arith.constant 0 : i32
      %dma_wait3A_120 = tpu.memref_slice %arg6[%dma_wait3A_118, %dma_wait3A_119] : memref<640x128xf32, #tpu.memory_space<vmem>> -> memref<128x128xf32, #tpu.memory_space<vmem>>
      %dma_wait3A_121 = arith.constant 0 : i32
      %dma_wait3A_122 = tpu.memref_slice %arg4[%run_scoped3A, %mul3A_2, %dma_wait3A_121] : memref<5x4096x128xf32, #tpu.memory_space<hbm>> -> memref<1x128x128xf32, #tpu.memory_space<hbm>>
      %dma_wait3A_123 = tpu.memref_squeeze %dma_wait3A_122 : memref<1x128x128xf32, #tpu.memory_space<hbm>> -> memref<128x128xf32, #tpu.memory_space<hbm>>
      %dma_wait3A_124 = arith.constant 0 : i32
      %dma_wait3A_125 = tpu.memref_slice %arg4[%run_scoped3A, %mul3A_2, %dma_wait3A_124] : memref<5x4096x128xf32, #tpu.memory_space<hbm>> -> memref<1x128x128xf32, #tpu.memory_space<hbm>>
      %dma_wait3A_126 = tpu.memref_squeeze %dma_wait3A_125 : memref<1x128x128xf32, #tpu.memory_space<hbm>> -> memref<128x128xf32, #tpu.memory_space<hbm>>
      %dma_wait3A_127 = arith.constant 0 : i32
      %dma_wait3A_128 = arith.constant 0 : i32
      %dma_wait3A_129 = tpu.memref_slice %arg6[%dma_wait3A_127, %dma_wait3A_128] : memref<640x128xf32, #tpu.memory_space<vmem>> -> memref<128x128xf32, #tpu.memory_space<vmem>>
      tpu.wait_dma2 semaphore(%run_scoped3A_105 : memref<!tpu.dma_semaphore, #tpu.memory_space<semaphore_mem>>) src(%dma_wait3A_129 : memref<128x128xf32, #tpu.memory_space<vmem>>) dst(%dma_wait3A_126 : memref<128x128xf32, #tpu.memory_space<hbm>>)
      tpu.yield
    }) : () -> ()
    %run_scoped3A_101 = arith.constant 1 : i32
    "tpu.region"() ({
      %run_scoped3A_105 = tpu.sem_alloc : memref<!tpu.dma_semaphore, #tpu.memory_space<semaphore_mem>>
      %dma_start3A_106 = arith.constant 128 : i32
      %dma_start3A_107 = arith.constant 0 : i32
      %dma_start3A_108 = tpu.memref_slice %arg6[%dma_start3A_106, %dma_start3A_107] : memref<640x128xf32, #tpu.memory_space<vmem>> -> memref<128x128xf32, #tpu.memory_space<vmem>>
      %dma_start3A_109 = arith.constant 0 : i32
      %dma_start3A_110 = tpu.memref_slice %arg4[%run_scoped3A_101, %mul3A_2, %dma_start3A_109] : memref<5x4096x128xf32, #tpu.memory_space<hbm>> -> memref<1x128x128xf32, #tpu.memory_space<hbm>>
      %dma_start3A_111 = tpu.memref_squeeze %dma_start3A_110 : memref<1x128x128xf32, #tpu.memory_space<hbm>> -> memref<128x128xf32, #tpu.memory_space<hbm>>
      %dma_start3A_112 = arith.constant 0 : i32
      %dma_start3A_113 = tpu.memref_slice %arg4[%run_scoped3A_101, %mul3A_2, %dma_start3A_112] : memref<5x4096x128xf32, #tpu.memory_space<hbm>> -> memref<1x128x128xf32, #tpu.memory_space<hbm>>
      %dma_start3A_114 = tpu.memref_squeeze %dma_start3A_113 : memref<1x128x128xf32, #tpu.memory_space<hbm>> -> memref<128x128xf32, #tpu.memory_space<hbm>>
      %dma_start3A_115 = arith.constant 128 : i32
      %dma_start3A_116 = arith.constant 0 : i32
      %dma_start3A_117 = tpu.memref_slice %arg6[%dma_start3A_115, %dma_start3A_116] : memref<640x128xf32, #tpu.memory_space<vmem>> -> memref<128x128xf32, #tpu.memory_space<vmem>>
      tpu.enqueue_dma source(%dma_start3A_117 : memref<128x128xf32, #tpu.memory_space<vmem>>) target(%dma_start3A_114 : memref<128x128xf32, #tpu.memory_space<hbm>>) target_semaphore(%run_scoped3A_105 : memref<!tpu.dma_semaphore, #tpu.memory_space<semaphore_mem>>)
      %dma_wait3A_118 = arith.constant 128 : i32
      %dma_wait3A_119 = arith.constant 0 : i32
      %dma_wait3A_120 = tpu.memref_slice %arg6[%dma_wait3A_118, %dma_wait3A_119] : memref<640x128xf32, #tpu.memory_space<vmem>> -> memref<128x128xf32, #tpu.memory_space<vmem>>
      %dma_wait3A_121 = arith.constant 0 : i32
      %dma_wait3A_122 = tpu.memref_slice %arg4[%run_scoped3A_101, %mul3A_2, %dma_wait3A_121] : memref<5x4096x128xf32, #tpu.memory_space<hbm>> -> memref<1x128x128xf32, #tpu.memory_space<hbm>>
      %dma_wait3A_123 = tpu.memref_squeeze %dma_wait3A_122 : memref<1x128x128xf32, #tpu.memory_space<hbm>> -> memref<128x128xf32, #tpu.memory_space<hbm>>
      %dma_wait3A_124 = arith.constant 0 : i32
      %dma_wait3A_125 = tpu.memref_slice %arg4[%run_scoped3A_101, %mul3A_2, %dma_wait3A_124] : memref<5x4096x128xf32, #tpu.memory_space<hbm>> -> memref<1x128x128xf32, #tpu.memory_space<hbm>>
      %dma_wait3A_126 = tpu.memref_squeeze %dma_wait3A_125 : memref<1x128x128xf32, #tpu.memory_space<hbm>> -> memref<128x128xf32, #tpu.memory_space<hbm>>
      %dma_wait3A_127 = arith.constant 128 : i32
      %dma_wait3A_128 = arith.constant 0 : i32
      %dma_wait3A_129 = tpu.memref_slice %arg6[%dma_wait3A_127, %dma_wait3A_128] : memref<640x128xf32, #tpu.memory_space<vmem>> -> memref<128x128xf32, #tpu.memory_space<vmem>>
      tpu.wait_dma2 semaphore(%run_scoped3A_105 : memref<!tpu.dma_semaphore, #tpu.memory_space<semaphore_mem>>) src(%dma_wait3A_129 : memref<128x128xf32, #tpu.memory_space<vmem>>) dst(%dma_wait3A_126 : memref<128x128xf32, #tpu.memory_space<hbm>>)
      tpu.yield
    }) : () -> ()
    %run_scoped3A_102 = arith.constant 2 : i32
    "tpu.region"() ({
      %run_scoped3A_105 = tpu.sem_alloc : memref<!tpu.dma_semaphore, #tpu.memory_space<semaphore_mem>>
      %dma_start3A_106 = arith.constant 256 : i32
      %dma_start3A_107 = arith.constant 0 : i32
      %dma_start3A_108 = tpu.memref_slice %arg6[%dma_start3A_106, %dma_start3A_107] : memref<640x128xf32, #tpu.memory_space<vmem>> -> memref<128x128xf32, #tpu.memory_space<vmem>>
      %dma_start3A_109 = arith.constant 0 : i32
      %dma_start3A_110 = tpu.memref_slice %arg4[%run_scoped3A_102, %mul3A_2, %dma_start3A_109] : memref<5x4096x128xf32, #tpu.memory_space<hbm>> -> memref<1x128x128xf32, #tpu.memory_space<hbm>>
      %dma_start3A_111 = tpu.memref_squeeze %dma_start3A_110 : memref<1x128x128xf32, #tpu.memory_space<hbm>> -> memref<128x128xf32, #tpu.memory_space<hbm>>
      %dma_start3A_112 = arith.constant 0 : i32
      %dma_start3A_113 = tpu.memref_slice %arg4[%run_scoped3A_102, %mul3A_2, %dma_start3A_112] : memref<5x4096x128xf32, #tpu.memory_space<hbm>> -> memref<1x128x128xf32, #tpu.memory_space<hbm>>
      %dma_start3A_114 = tpu.memref_squeeze %dma_start3A_113 : memref<1x128x128xf32, #tpu.memory_space<hbm>> -> memref<128x128xf32, #tpu.memory_space<hbm>>
      %dma_start3A_115 = arith.constant 256 : i32
      %dma_start3A_116 = arith.constant 0 : i32
      %dma_start3A_117 = tpu.memref_slice %arg6[%dma_start3A_115, %dma_start3A_116] : memref<640x128xf32, #tpu.memory_space<vmem>> -> memref<128x128xf32, #tpu.memory_space<vmem>>
      tpu.enqueue_dma source(%dma_start3A_117 : memref<128x128xf32, #tpu.memory_space<vmem>>) target(%dma_start3A_114 : memref<128x128xf32, #tpu.memory_space<hbm>>) target_semaphore(%run_scoped3A_105 : memref<!tpu.dma_semaphore, #tpu.memory_space<semaphore_mem>>)
      %dma_wait3A_118 = arith.constant 256 : i32
      %dma_wait3A_119 = arith.constant 0 : i32
      %dma_wait3A_120 = tpu.memref_slice %arg6[%dma_wait3A_118, %dma_wait3A_119] : memref<640x128xf32, #tpu.memory_space<vmem>> -> memref<128x128xf32, #tpu.memory_space<vmem>>
      %dma_wait3A_121 = arith.constant 0 : i32
      %dma_wait3A_122 = tpu.memref_slice %arg4[%run_scoped3A_102, %mul3A_2, %dma_wait3A_121] : memref<5x4096x128xf32, #tpu.memory_space<hbm>> -> memref<1x128x128xf32, #tpu.memory_space<hbm>>
      %dma_wait3A_123 = tpu.memref_squeeze %dma_wait3A_122 : memref<1x128x128xf32, #tpu.memory_space<hbm>> -> memref<128x128xf32, #tpu.memory_space<hbm>>
      %dma_wait3A_124 = arith.constant 0 : i32
      %dma_wait3A_125 = tpu.memref_slice %arg4[%run_scoped3A_102, %mul3A_2, %dma_wait3A_124] : memref<5x4096x128xf32, #tpu.memory_space<hbm>> -> memref<1x128x128xf32, #tpu.memory_space<hbm>>
      %dma_wait3A_126 = tpu.memref_squeeze %dma_wait3A_125 : memref<1x128x128xf32, #tpu.memory_space<hbm>> -> memref<128x128xf32, #tpu.memory_space<hbm>>
      %dma_wait3A_127 = arith.constant 256 : i32
      %dma_wait3A_128 = arith.constant 0 : i32
      %dma_wait3A_129 = tpu.memref_slice %arg6[%dma_wait3A_127, %dma_wait3A_128] : memref<640x128xf32, #tpu.memory_space<vmem>> -> memref<128x128xf32, #tpu.memory_space<vmem>>
      tpu.wait_dma2 semaphore(%run_scoped3A_105 : memref<!tpu.dma_semaphore, #tpu.memory_space<semaphore_mem>>) src(%dma_wait3A_129 : memref<128x128xf32, #tpu.memory_space<vmem>>) dst(%dma_wait3A_126 : memref<128x128xf32, #tpu.memory_space<hbm>>)
      tpu.yield
    }) : () -> ()
    %run_scoped3A_103 = arith.constant 3 : i32
    "tpu.region"() ({
      %run_scoped3A_105 = tpu.sem_alloc : memref<!tpu.dma_semaphore, #tpu.memory_space<semaphore_mem>>
      %dma_start3A_106 = arith.constant 384 : i32
      %dma_start3A_107 = arith.constant 0 : i32
      %dma_start3A_108 = tpu.memref_slice %arg6[%dma_start3A_106, %dma_start3A_107] : memref<640x128xf32, #tpu.memory_space<vmem>> -> memref<128x128xf32, #tpu.memory_space<vmem>>
      %dma_start3A_109 = arith.constant 0 : i32
      %dma_start3A_110 = tpu.memref_slice %arg4[%run_scoped3A_103, %mul3A_2, %dma_start3A_109] : memref<5x4096x128xf32, #tpu.memory_space<hbm>> -> memref<1x128x128xf32, #tpu.memory_space<hbm>>
      %dma_start3A_111 = tpu.memref_squeeze %dma_start3A_110 : memref<1x128x128xf32, #tpu.memory_space<hbm>> -> memref<128x128xf32, #tpu.memory_space<hbm>>
      %dma_start3A_112 = arith.constant 0 : i32
      %dma_start3A_113 = tpu.memref_slice %arg4[%run_scoped3A_103, %mul3A_2, %dma_start3A_112] : memref<5x4096x128xf32, #tpu.memory_space<hbm>> -> memref<1x128x128xf32, #tpu.memory_space<hbm>>
      %dma_start3A_114 = tpu.memref_squeeze %dma_start3A_113 : memref<1x128x128xf32, #tpu.memory_space<hbm>> -> memref<128x128xf32, #tpu.memory_space<hbm>>
      %dma_start3A_115 = arith.constant 384 : i32
      %dma_start3A_116 = arith.constant 0 : i32
      %dma_start3A_117 = tpu.memref_slice %arg6[%dma_start3A_115, %dma_start3A_116] : memref<640x128xf32, #tpu.memory_space<vmem>> -> memref<128x128xf32, #tpu.memory_space<vmem>>
      tpu.enqueue_dma source(%dma_start3A_117 : memref<128x128xf32, #tpu.memory_space<vmem>>) target(%dma_start3A_114 : memref<128x128xf32, #tpu.memory_space<hbm>>) target_semaphore(%run_scoped3A_105 : memref<!tpu.dma_semaphore, #tpu.memory_space<semaphore_mem>>)
      %dma_wait3A_118 = arith.constant 384 : i32
      %dma_wait3A_119 = arith.constant 0 : i32
      %dma_wait3A_120 = tpu.memref_slice %arg6[%dma_wait3A_118, %dma_wait3A_119] : memref<640x128xf32, #tpu.memory_space<vmem>> -> memref<128x128xf32, #tpu.memory_space<vmem>>
      %dma_wait3A_121 = arith.constant 0 : i32
      %dma_wait3A_122 = tpu.memref_slice %arg4[%run_scoped3A_103, %mul3A_2, %dma_wait3A_121] : memref<5x4096x128xf32, #tpu.memory_space<hbm>> -> memref<1x128x128xf32, #tpu.memory_space<hbm>>
      %dma_wait3A_123 = tpu.memref_squeeze %dma_wait3A_122 : memref<1x128x128xf32, #tpu.memory_space<hbm>> -> memref<128x128xf32, #tpu.memory_space<hbm>>
      %dma_wait3A_124 = arith.constant 0 : i32
      %dma_wait3A_125 = tpu.memref_slice %arg4[%run_scoped3A_103, %mul3A_2, %dma_wait3A_124] : memref<5x4096x128xf32, #tpu.memory_space<hbm>> -> memref<1x128x128xf32, #tpu.memory_space<hbm>>
      %dma_wait3A_126 = tpu.memref_squeeze %dma_wait3A_125 : memref<1x128x128xf32, #tpu.memory_space<hbm>> -> memref<128x128xf32, #tpu.memory_space<hbm>>
      %dma_wait3A_127 = arith.constant 384 : i32
      %dma_wait3A_128 = arith.constant 0 : i32
      %dma_wait3A_129 = tpu.memref_slice %arg6[%dma_wait3A_127, %dma_wait3A_128] : memref<640x128xf32, #tpu.memory_space<vmem>> -> memref<128x128xf32, #tpu.memory_space<vmem>>
      tpu.wait_dma2 semaphore(%run_scoped3A_105 : memref<!tpu.dma_semaphore, #tpu.memory_space<semaphore_mem>>) src(%dma_wait3A_129 : memref<128x128xf32, #tpu.memory_space<vmem>>) dst(%dma_wait3A_126 : memref<128x128xf32, #tpu.memory_space<hbm>>)
      tpu.yield
    }) : () -> ()
    %run_scoped3A_104 = arith.constant 4 : i32
    "tpu.region"() ({
      %run_scoped3A_105 = tpu.sem_alloc : memref<!tpu.dma_semaphore, #tpu.memory_space<semaphore_mem>>
      %dma_start3A_106 = arith.constant 512 : i32
      %dma_start3A_107 = arith.constant 0 : i32
      %dma_start3A_108 = tpu.memref_slice %arg6[%dma_start3A_106, %dma_start3A_107] : memref<640x128xf32, #tpu.memory_space<vmem>> -> memref<128x128xf32, #tpu.memory_space<vmem>>
      %dma_start3A_109 = arith.constant 0 : i32
      %dma_start3A_110 = tpu.memref_slice %arg4[%run_scoped3A_104, %mul3A_2, %dma_start3A_109] : memref<5x4096x128xf32, #tpu.memory_space<hbm>> -> memref<1x128x128xf32, #tpu.memory_space<hbm>>
      %dma_start3A_111 = tpu.memref_squeeze %dma_start3A_110 : memref<1x128x128xf32, #tpu.memory_space<hbm>> -> memref<128x128xf32, #tpu.memory_space<hbm>>
      %dma_start3A_112 = arith.constant 0 : i32
      %dma_start3A_113 = tpu.memref_slice %arg4[%run_scoped3A_104, %mul3A_2, %dma_start3A_112] : memref<5x4096x128xf32, #tpu.memory_space<hbm>> -> memref<1x128x128xf32, #tpu.memory_space<hbm>>
      %dma_start3A_114 = tpu.memref_squeeze %dma_start3A_113 : memref<1x128x128xf32, #tpu.memory_space<hbm>> -> memref<128x128xf32, #tpu.memory_space<hbm>>
      %dma_start3A_115 = arith.constant 512 : i32
      %dma_start3A_116 = arith.constant 0 : i32
      %dma_start3A_117 = tpu.memref_slice %arg6[%dma_start3A_115, %dma_start3A_116] : memref<640x128xf32, #tpu.memory_space<vmem>> -> memref<128x128xf32, #tpu.memory_space<vmem>>
      tpu.enqueue_dma source(%dma_start3A_117 : memref<128x128xf32, #tpu.memory_space<vmem>>) target(%dma_start3A_114 : memref<128x128xf32, #tpu.memory_space<hbm>>) target_semaphore(%run_scoped3A_105 : memref<!tpu.dma_semaphore, #tpu.memory_space<semaphore_mem>>)
      %dma_wait3A_118 = arith.constant 512 : i32
      %dma_wait3A_119 = arith.constant 0 : i32
      %dma_wait3A_120 = tpu.memref_slice %arg6[%dma_wait3A_118, %dma_wait3A_119] : memref<640x128xf32, #tpu.memory_space<vmem>> -> memref<128x128xf32, #tpu.memory_space<vmem>>
      %dma_wait3A_121 = arith.constant 0 : i32
      %dma_wait3A_122 = tpu.memref_slice %arg4[%run_scoped3A_104, %mul3A_2, %dma_wait3A_121] : memref<5x4096x128xf32, #tpu.memory_space<hbm>> -> memref<1x128x128xf32, #tpu.memory_space<hbm>>
      %dma_wait3A_123 = tpu.memref_squeeze %dma_wait3A_122 : memref<1x128x128xf32, #tpu.memory_space<hbm>> -> memref<128x128xf32, #tpu.memory_space<hbm>>
      %dma_wait3A_124 = arith.constant 0 : i32
      %dma_wait3A_125 = tpu.memref_slice %arg4[%run_scoped3A_104, %mul3A_2, %dma_wait3A_124] : memref<5x4096x128xf32, #tpu.memory_space<hbm>> -> memref<1x128x128xf32, #tpu.memory_space<hbm>>
      %dma_wait3A_126 = tpu.memref_squeeze %dma_wait3A_125 : memref<1x128x128xf32, #tpu.memory_space<hbm>> -> memref<128x128xf32, #tpu.memory_space<hbm>>
      %dma_wait3A_127 = arith.constant 512 : i32
      %dma_wait3A_128 = arith.constant 0 : i32
      %dma_wait3A_129 = tpu.memref_slice %arg6[%dma_wait3A_127, %dma_wait3A_128] : memref<640x128xf32, #tpu.memory_space<vmem>> -> memref<128x128xf32, #tpu.memory_space<vmem>>
      tpu.wait_dma2 semaphore(%run_scoped3A_105 : memref<!tpu.dma_semaphore, #tpu.memory_space<semaphore_mem>>) src(%dma_wait3A_129 : memref<128x128xf32, #tpu.memory_space<vmem>>) dst(%dma_wait3A_126 : memref<128x128xf32, #tpu.memory_space<hbm>>)
      tpu.yield
    }) : () -> ()
    return
  }
}

module attributes {stable_mosaic.version = 14 : i64} {
  func.func @_mlp_body(%arg0: i32, %arg1: memref<5x512x128xf32, #tpu.memory_space<vmem>>, %arg2: memref<640x2048xbf16, #tpu.memory_space<vmem>>, %arg3: memref<1x2048xf32, #tpu.memory_space<vmem>>, %arg4: memref<1000x2048xbf16, #tpu.memory_space<vmem>>, %arg5: memref<1000x1xf32, #tpu.memory_space<vmem>>, %arg6: memref<1000x512xf32, #tpu.memory_space<vmem>>) attributes {dimension_semantics = [#tpu.dimension_semantics<arbitrary>], iteration_bounds = array<i64: 8>, scalar_prefetch = 0 : i64, scratch_operands = 0 : i64, tpu.core_type = #tpu.core_type<tc>, window_params = [{transform_indices = @transform_0, window_bounds = array<i64: 5, 512, 128>}, {pipeline_mode = #tpu.pipeline_mode<synchronous>, transform_indices = @transform_1, window_bounds = array<i64: 640, 2048>}, {pipeline_mode = #tpu.pipeline_mode<synchronous>, transform_indices = @transform_2, window_bounds = array<i64: 1, 2048>}, {pipeline_mode = #tpu.pipeline_mode<synchronous>, transform_indices = @transform_3, window_bounds = array<i64: 1000, 2048>}, {pipeline_mode = #tpu.pipeline_mode<synchronous>, transform_indices = @transform_4, window_bounds = array<i64: 1000, 1>}, {transform_indices = @transform_5, window_bounds = array<i64: 1000, 512>}]} {
    %get3A = arith.constant 0 : index
    %get3A_0 = arith.constant 0 : index
    %get3A_1 = arith.constant 0 : index
    %get3A_2 = vector.load %arg1[%get3A, %get3A_0, %get3A_1] : memref<5x512x128xf32, #tpu.memory_space<vmem>>, vector<1x512x128xf32>
    %get3A_3 = vector.shape_cast %get3A_2 : vector<1x512x128xf32> to vector<512x128xf32>
    %convert_element_type3A = arith.truncf %get3A_3 : vector<512x128xf32> to vector<512x128xbf16>
    %get3A_4 = arith.constant 1 : index
    %get3A_5 = arith.constant 0 : index
    %get3A_6 = arith.constant 0 : index
    %get3A_7 = vector.load %arg1[%get3A_4, %get3A_5, %get3A_6] : memref<5x512x128xf32, #tpu.memory_space<vmem>>, vector<1x512x128xf32>
    %get3A_8 = vector.shape_cast %get3A_7 : vector<1x512x128xf32> to vector<512x128xf32>
    %convert_element_type3A_9 = arith.truncf %get3A_8 : vector<512x128xf32> to vector<512x128xbf16>
    %get3A_10 = arith.constant 2 : index
    %get3A_11 = arith.constant 0 : index
    %get3A_12 = arith.constant 0 : index
    %get3A_13 = vector.load %arg1[%get3A_10, %get3A_11, %get3A_12] : memref<5x512x128xf32, #tpu.memory_space<vmem>>, vector<1x512x128xf32>
    %get3A_14 = vector.shape_cast %get3A_13 : vector<1x512x128xf32> to vector<512x128xf32>
    %convert_element_type3A_15 = arith.truncf %get3A_14 : vector<512x128xf32> to vector<512x128xbf16>
    %get3A_16 = arith.constant 3 : index
    %get3A_17 = arith.constant 0 : index
    %get3A_18 = arith.constant 0 : index
    %get3A_19 = vector.load %arg1[%get3A_16, %get3A_17, %get3A_18] : memref<5x512x128xf32, #tpu.memory_space<vmem>>, vector<1x512x128xf32>
    %get3A_20 = vector.shape_cast %get3A_19 : vector<1x512x128xf32> to vector<512x128xf32>
    %convert_element_type3A_21 = arith.truncf %get3A_20 : vector<512x128xf32> to vector<512x128xbf16>
    %get3A_22 = arith.constant 4 : index
    %get3A_23 = arith.constant 0 : index
    %get3A_24 = arith.constant 0 : index
    %get3A_25 = vector.load %arg1[%get3A_22, %get3A_23, %get3A_24] : memref<5x512x128xf32, #tpu.memory_space<vmem>>, vector<1x512x128xf32>
    %get3A_26 = vector.shape_cast %get3A_25 : vector<1x512x128xf32> to vector<512x128xf32>
    %convert_element_type3A_27 = arith.truncf %get3A_26 : vector<512x128xf32> to vector<512x128xbf16>
    %concatenate3A = tpu.concatenate %convert_element_type3A, %convert_element_type3A_9, %convert_element_type3A_15, %convert_element_type3A_21, %convert_element_type3A_27 in 1 : vector<512x128xbf16>, vector<512x128xbf16>, vector<512x128xbf16>, vector<512x128xbf16>, vector<512x128xbf16> -> vector<512x640xbf16>
    %get3A_28 = arith.constant 0 : index
    %get3A_29 = arith.constant 0 : index
    %get3A_30 = vector.load %arg2[%get3A_28, %get3A_29] : memref<640x2048xbf16, #tpu.memory_space<vmem>>, vector<640x2048xbf16>
    %dot_general3A = arith.constant dense<0.000000e+00> : vector<512x2048xf32>
    %dot_general3A_31 = tpu.matmul %concatenate3A, %get3A_30, %dot_general3A {dimension_numbers = #tpu.dot_dimension_numbers<[1], [0], [0], [1], [0, 0, 1, 1], [], []>, transpose_lhs_hint = false} : vector<512x640xbf16>, vector<640x2048xbf16>, vector<512x2048xf32> -> vector<512x2048xf32>
    %get3A_32 = arith.constant 0 : index
    %get3A_33 = arith.constant 0 : index
    %get3A_34 = vector.load %arg3[%get3A_32, %get3A_33] : memref<1x2048xf32, #tpu.memory_space<vmem>>, vector<1x2048xf32>
    %add3A = vector.broadcast %get3A_34 : vector<1x2048xf32> to vector<512x2048xf32>
    %add3A_35 = arith.addf %dot_general3A_31, %add3A : vector<512x2048xf32>
    %tanh3A = math.tanh %add3A_35 : vector<512x2048xf32>
    %get3A_36 = arith.constant 0 : index
    %get3A_37 = arith.constant 0 : index
    %get3A_38 = vector.load %arg4[%get3A_36, %get3A_37] : memref<1000x2048xbf16, #tpu.memory_space<vmem>>, vector<1000x2048xbf16>
    %convert_element_type3A_39 = arith.truncf %tanh3A : vector<512x2048xf32> to vector<512x2048xbf16>
    %dot_general3A_40 = arith.constant dense<0.000000e+00> : vector<1000x512xf32>
    %dot_general3A_41 = tpu.matmul %get3A_38, %convert_element_type3A_39, %dot_general3A_40 {dimension_numbers = #tpu.dot_dimension_numbers<[1], [1], [0], [0], [0, 0, 1, 0], [], []>, transpose_lhs_hint = false} : vector<1000x2048xbf16>, vector<512x2048xbf16>, vector<1000x512xf32> -> vector<1000x512xf32>
    %get3A_42 = arith.constant 0 : index
    %get3A_43 = arith.constant 0 : index
    %get3A_44 = vector.load %arg5[%get3A_42, %get3A_43] : memref<1000x1xf32, #tpu.memory_space<vmem>>, vector<1000x1xf32>
    %add3A_45 = vector.broadcast %get3A_44 : vector<1000x1xf32> to vector<1000x512xf32>
    %add3A_46 = arith.addf %dot_general3A_41, %add3A_45 : vector<1000x512xf32>
    %swap3A = arith.constant 0 : index
    %swap3A_47 = arith.constant 0 : index
    %swap3A_48 = vector.load %arg6[%swap3A, %swap3A_47] : memref<1000x512xf32, #tpu.memory_space<vmem>>, vector<1000x512xf32>
    tpu.vector_store %arg6[%swap3A, %swap3A_47], %add3A_46 {strides = array<i32>} : memref<1000x512xf32, #tpu.memory_space<vmem>>, vector<1000x512xf32>,
    return
  }
  func.func @transform_0(%arg0: i32) -> (i32, i32, i32) {
    %c0_i32 = arith.constant 0 : i32
    %c0_i32_0 = arith.constant 0 : i32
    %c0_i32_1 = arith.constant 0 : i32
    return %c0_i32, %arg0, %c0_i32_0 : i32, i32, i32
  }
  func.func @transform_1(%arg0: i32) -> (i32, i32) {
    %c0_i32 = arith.constant 0 : i32
    %c0_i32_0 = arith.constant 0 : i32
    %c0_i32_1 = arith.constant 0 : i32
    return %c0_i32, %c0_i32_0 : i32, i32
  }
  func.func @transform_2(%arg0: i32) -> (i32, i32) {
    %c0_i32 = arith.constant 0 : i32
    %c0_i32_0 = arith.constant 0 : i32
    %c0_i32_1 = arith.constant 0 : i32
    return %c0_i32, %c0_i32_0 : i32, i32
  }
  func.func @transform_3(%arg0: i32) -> (i32, i32) {
    %c0_i32 = arith.constant 0 : i32
    %c0_i32_0 = arith.constant 0 : i32
    %c0_i32_1 = arith.constant 0 : i32
    return %c0_i32, %c0_i32_0 : i32, i32
  }
  func.func @transform_4(%arg0: i32) -> (i32, i32) {
    %c0_i32 = arith.constant 0 : i32
    %c0_i32_0 = arith.constant 0 : i32
    %c0_i32_1 = arith.constant 0 : i32
    return %c0_i32, %c0_i32_0 : i32, i32
  }
  func.func @transform_5(%arg0: i32) -> (i32, i32) {
    %c0_i32 = arith.constant 0 : i32
    %c0_i32_0 = arith.constant 0 : i32
    return %c0_i32, %arg0 : i32, i32
  }
}

</mosaic_0001>

<sc_bundles>
// kernel: kernel.4.cloned.1.call-start
scs
__scs_entry_jumppad:
0x0: {  	(pc) =	sbr.rel $0x88, $3  }
0x1: {  	(tag) =	ssettag $0x0;
	lr =	simm.s32 $0x1  }
0x2: {  	[smem:$0x3F9B] =	sst lr;
	_ =	strace $0xD0000000  }
0x3: {  	_ = 	snop  }
0x4: {  	_ = 	snop  }
0x5: {  	_ = 	snop  }
0x6: {  	_ = 	snop  }
0x7: {  	_ = 	snop  }
__scs_overlays_trampoline_lowered:
0x8: {  	[smem:$0x3FAA] =	sst s0  }
0x9: {  	[smem:$0x3FAB] =	sst s1  }
0xa: {  	[smem:$0x3FAC] =	sst s2  }
0xb: {  	[smem:$0x3FAD] =	sst s3  }
0xc: {  	[smem:$0x3FAE] =	sst s4  }
0xd: {  	[smem:$0x3FAF] =	sst s5  }
0xe: {  	[smem:$0x3FB0] =	sst s6  }
0xf: {  	[smem:$0x3FB1] =	sst s7  }
0x10: {  	[smem:$0x3FB2] =	sst s8  }
0x11: {  	[smem:$0x3FB3] =	sst s9;
	s0 =	simm.s32 @!p0 $0x0  }
0x12: {  	s1 =	sld [smem:$0x3F99];
	s0 =	simm.s32 @p0 $0x1  }
0x13: {  	[smem:$0x3FB4] =	sst s0;
	s0 =	simm.s32 @!p1 $0x0  }
0x14: {  	s2 =	sld [smem:$0x3F98];
	s0 =	simm.s32 @p1 $0x1  }
0x15: {  	[smem:$0x3FB5] =	sst s0;
	s0 =	simm.s32 @!p2 $0x0  }
0x16: {  	s3 =	sld [smem:$0x3FDB];
	s0 =	simm.s32 @p2 $0x1  }
0x17: {  	s4 =	simm.s32 $0x1BF5;
	[smem:$0x3FB7] =	sst s0  }
0x18: {  	s0 =	sld [smem:$0x3F9A];
	_ =	swait.ge [sflag:s4], $0x0  }
0x19: {  	s7 =	sld [smem:$0x3F9B]  }
0x1a: {  	s8 =	sadd.s32 $0xFFFFE003, lr  }
0x1b: {  	s9 =	sadd.s32 $0xFFFFFEF7, lr;
	s5 =	simm.s32 $0xFFFFFFFF;
	p2 =	slt.u32 s8, $0xFFFFF086  }
0x1c: {  	p1 =	slt.u32 s9, $0xF7A;
	s5 =	simm.s32 @!p2 $0x0  }
0x1d: {  	s5 =	simm.s32 @p1 $0x1;
	p0 =	seq.s32 s7, s2  }
0x1e: {  	s7 =	smul.u32 @!p0 $0xF7A, s2;
	p2 =	seq.s32 @!p0 s5, $0x0  }
0x1f: {  	s9 =	smul.u32 $0xF7A, s1;
	s8 =	simm.s32 @!p0 $0x1BF5;
	p2 =	por !p2, p0  }
0x20: {  	[sflag:s8] =	ssyncset.s32 @!p0 $0xFFFFF086;
	s6 =	sadd.s32 @!p0 s3, s7;
	s7 =	simm.s32 @!p0 $0x108  }
0x21: {  	s3 =	sadd.s32 s3, s9;
	s6 =	sadd.s32 @!p0 $0x88, s6;
	s7 =	simm.s32 @p2 $0x1082  }
0x22: {  	[simem:s7], [sflag:s8] =	dma.local @!p0 [hbm:s6], $0xF7A  }
0x23: {  	s9 =	sor.u32 $0xD0000000, s2;
	s6 =	simm.s32 $0x108;
	_ =	swait.ge @!p0 [sflag:s8], $0x0  }
0x24: {  	s3 =	sadd.s32 $0x88, s3;
	s6 =	simm.s32 @!p1 $0x1082;
	[sflag:s4] =	ssyncset.s32 $0xFFFFF086  }
0x25: {  	[simem:s6], [sflag:s4] =	dma.local [hbm:s3], $0xF7A  }
0x26: {  	[smem:$0x3F9B] =	sst s1;
	(tag) =	ssettag s2;
	_ =	strace s9  }
0x27: {  	s1 =	sld [smem:$0x3FAB]  }
0x28: {  	s2 =	sld [smem:$0x3FAC]  }
0x29: {  	s4 =	sld [smem:$0x3FAE]  }
0x2a: {  	p0 =	seq.s32 s5, $0x0;
	s5 =	sld [smem:$0x3FAF]  }
0x2b: {  	s6 =	sld [smem:$0x3FB0]  }
0x2c: {  	s7 =	sld [smem:$0x3FB1]  }
0x2d: {  	s3 =	simm.s32 $0x108;
	s8 =	sld [smem:$0x3FB2]  }
0x2e: {  	s3 =	simm.s32 @!p0 $0x1082;
	s9 =	sld [smem:$0x3FB3]  }
0x2f: {  	lr =	sadd.s32 s0, s3;
	s0 =	sld [smem:$0x3FAA]  }
0x30: {  	s3 =	sld [smem:$0x3FAD]  }
0x31: {  	[smem:$0x3FB6] =	sst s10  }
0x32: {  	s10 =	sld [smem:$0x3FB4];
	_ =	sdelay $0x3  }
0x33: {  	p0 =	seq.s32 s10, $0x1;
	s10 =	sld [smem:$0x3FB6];
	_ =	sdelay $0x3  }
0x34: {  	[smem:$0x3FB6] =	sst s10  }
0x35: {  	s10 =	sld [smem:$0x3FB5];
	_ =	sdelay $0x3  }
0x36: {  	p1 =	seq.s32 s10, $0x1;
	s10 =	sld [smem:$0x3FB6];
	_ =	sdelay $0x3  }
0x37: {  	[smem:$0x3FB6] =	sst s10  }
0x38: {  	s10 =	sld [smem:$0x3FB7]  }
0x39: {  	_ = 	snop;
	(pc) =	sbr.ind lr, $3  }
0x3a: {  	_ = 	snop  }
0x3b: {  	_ = 	snop  }
0x3c: {  	p2 =	seq.s32 s10, $0x1;
	s10 =	sld [smem:$0x3FB6]  }
0x3d: {  	_ =	shalt  }
0x3e: {  	_ =	shalt  }
0x3f: {  	_ =	shalt  }
0x40: {  	_ =	shalt  }
0x41: {  	_ =	shalt  }
0x42: {  	_ =	shalt  }
0x43: {  	_ =	shalt  }
0x44: {  	_ =	shalt  }
0x45: {  	_ =	shalt  }
0x46: {  	_ =	shalt  }
0x47: {  	_ =	shalt  }
0x48: {  	_ =	shalt  }
0x49: {  	_ =	shalt  }
0x4a: {  	_ =	shalt  }
0x4b: {  	_ =	shalt  }
0x4c: {  	_ =	shalt  }
0x4d: {  	_ =	shalt  }
0x4e: {  	_ =	shalt  }
0x4f: {  	_ =	shalt  }
0x50: {  	_ =	shalt  }
0x51: {  	_ =	shalt  }
0x52: {  	_ =	shalt  }
0x53: {  	_ =	shalt  }
0x54: {  	_ =	shalt  }
0x55: {  	_ =	shalt  }
0x56: {  	_ =	shalt  }
0x57: {  	_ =	shalt  }
0x58: {  	_ =	shalt  }
0x59: {  	_ =	shalt  }
0x5a: {  	_ =	shalt  }
0x5b: {  	_ =	shalt  }
0x5c: {  	_ =	shalt  }
0x5d: {  	_ =	shalt  }
0x5e: {  	_ =	shalt  }
0x5f: {  	_ =	shalt  }
0x60: {  	_ =	shalt  }
0x61: {  	_ =	shalt  }
0x62: {  	_ =	shalt  }
0x63: {  	_ =	shalt  }
0x64: {  	_ =	shalt  }
0x65: {  	_ =	shalt  }
0x66: {  	_ =	shalt  }
0x67: {  	_ =	shalt  }
0x68: {  	_ =	shalt  }
0x69: {  	_ =	shalt  }
0x6a: {  	_ =	shalt  }
0x6b: {  	_ =	shalt  }
0x6c: {  	_ =	shalt  }
0x6d: {  	_ =	shalt  }
0x6e: {  	_ =	shalt  }
0x6f: {  	_ =	shalt  }
0x70: {  	_ =	shalt  }
0x71: {  	_ =	shalt  }
0x72: {  	_ =	shalt  }
0x73: {  	_ =	shalt  }
0x74: {  	_ =	shalt  }
0x75: {  	_ =	shalt  }
0x76: {  	_ =	shalt  }
0x77: {  	_ =	shalt  }
0x78: {  	_ =	shalt  }
0x79: {  	_ =	shalt  }
0x7a: {  	_ =	shalt  }
0x7b: {  	_ =	shalt  }
0x7c: {  	_ =	shalt  }
0x7d: {  	_ =	shalt  }
0x7e: {  	_ =	shalt  }
0x7f: {  	_ =	shalt  }
0x80: {  	_ =	shalt  }
0x81: {  	_ =	shalt  }
0x82: {  	_ =	shalt  }
0x83: {  	_ =	shalt  }
0x84: {  	_ =	shalt  }
0x85: {  	_ =	shalt  }
0x86: {  	_ =	shalt  }
0x87: {  	_ =	shalt  }
.Lfunc_end0:
.L_simem_size_0:
called_computation_lowered:
.L_overlay_start_0:
0x88: {  	s2 =	sld [smem:$0x3FD9]  }
0x89: {  	s3 =	sld [smem:$0x3FFE];
	_ =	sdelay $0x1  }
0x8a: {  	s1 =	srdreg.scid  }
0x8b: {  	s0 =	sand.u32 $0x1, s1  }
0x8c: {  	s18 =	sshll.u32 s0, $0xA;
	s2 =	sadd.s32 s3, s2  }
0x8d: {  	s2 =	sadd.s32 s2, s18  }
0x8e: {  	[smem:$0x3FC2] =	sst s2  }
0x8f: {  	_ = 	snop  }
0x90: {  	s2 =	sld [smem:$0x3FC9]  }
0x91: {  	s19 =	sld [smem:$0x3FC4]  }
0x92: {  	s4 =	sld [smem:$0x3FD0];
	(tm) =	ssettm $0x1  }
0x93: {  	s5 =	sld [smem:$0x3FFB];
	_ =	sdelay $0x3  }
0x94: {  	_ =	strace s5  }
0x95: {  	s5 =	sld [smem:$0x3FFC];
	_ =	sdelay $0x3  }
0x96: {  	_ =	strace s5  }
0x97: {  	s5 =	sld [smem:$0x3FFD];
	_ =	sdelay $0x3  }
0x98: {  	_ =	strace s5  }
0x99: {  	_ =	strace $0x8FFFFFFF  }
0x9a: {  	s20 =	sld [smem:$0x3FDB];
	_ =	sdelay $0x1  }
0x9b: {  	s6 =	simm.s32 $_scs_section_size  }
0x9c: {  	s7 =	simm.s32 $_size__tile_overlayer_lowered;
	s8 =	simm.s32 $_tile_overlayer_lowered  }
0x9d: {  	s23 =	simm.s32 $0x1BFF;
	s22 =	sshll.u32 s8, $0x1;
	s5 =	sadd.s32 s6, s20  }
0x9e: {  	s9 =	simm.s32 $0x0;
	s21 =	sshll.u32 s7, $0x1;
	s7 =	sadd.s32 s22, s5  }
0x9f: {  	[timem:s9], [sflag:s23] =	dma.local [hbm:s7], s21  }
0xa0: {  	_ =	swait.ge [sflag:s23], s21  }
0xa1: {  	s6 =	ssub.s32 $0x0, s21;
	[sflag:s23] =	ssyncset.done $0x0  }
0xa2: {  	[sflag:s23] =	ssyncadd.s32 s6;
	_ =	sdelay $0x1  }
0xa3: {  	s24 =	simm.s32 $0x1B8B  }
0xa4: {  	_ =	swait.ge [sflag:s24], $0x1  }
0xa5: {  	[sflag:s24] =	ssyncset.done $0x0  }
0xa6: {  	s25 =	simm.s32 $0x1B8E;
	[sflag:s24] =	ssyncadd.s32 $0xFFFFFFFF  }
0xa7: {  	s26 =	simm.s32 $execute0_lowered;
	[smem:$0x3FD2] =	sst s25  }
0xa8: {  	s6 =	sshll.u32 s26, $0x1;
	_ =	strace $0x80000046;
	[dreg:$0x1] =	wrdreg $0xFFFFFFFF  }
0xa9: {  	s28 =	simm.s32 $_size_execute0_lowered;
	s5 =	sadd.s32 s5, s6;
	[dreg:$0x0] =	wrdreg $0x0  }
0xaa: {  	s6 =	sshll.u32 s28, $0x1;
	[dreg:$0x2] =	wrdreg s5  }
0xab: {  	[dreg:$0x3] =	wrdreg s6  }
0xac: {  	[dreg:$0x4] =	wrdreg $0xC0  }
0xad: {  	_ =	task [dreg:s9], $0x5FFFF  }
0xae: {  	[dreg:$0x1] =	wrdreg $0xFFFFFFFF  }
0xaf: {  	[dreg:$0x0] =	wrdreg $0x60  }
0xb0: {  	[dreg:$0x2] =	wrdreg s19  }
0xb1: {  	[dreg:$0x3] =	wrdreg s2  }
0xb2: {  	[dreg:$0x4] =	wrdreg s4  }
0xb3: {  	[dreg:$0x5] =	wrdreg $0x9  }
0xb4: {  	_ =	task.clear_ibuf [dreg:s9], $0x6FFFF;
	_ =	strace $0x90000046  }
0xb5: {  	s29 =	simm.s32 $0x9;
	_ =	strace $0x80000048  }
0xb6: {  	_ =	swait.ge [sflag:s29], $0x1  }
0xb7: {  	[sflag:s29] =	ssyncadd.s32 $0xFFFFFFFF  }
0xb8: {  	_ =	strace $0x90000048  }
0xb9: {  	_ =	sfence  }
0xba: {  	s30 =	sld [smem:$0x0];
	_ =	sdelay $0x2  }
0xbb: {  	s31 =	sshll.u32 s1, $0xD;
	s1 =	sshrl.u32 s1, $0x2  }
0xbc: {  	s3 =	sand.u32 $0x4000, s31;
	s1 =	sadd.s32 s1, s30  }
0xbd: {  	s0 =	sor.u32 s3, s0;
	s1 =	sshll.u32 s1, $0x11  }
0xbe: {  	s0 =	sor.u32 s1, s0  }
0xbf: {  	s0 =	sadd.s32 $0x8F2B, s0  }
0xc0: {  	[sflag:s0] =	ssyncadd.remote.s32 $0x1  }
0xc1: {  	_ =	sfence.sel $0xFFFF  }
0xc2: {  	[dreg:$0x0] =	wrdreg $0xFFFFFFFF;
	(pc) =	sbr.abs _section_cstart, $3  }
0xc3: {  	[dreg:$0x1] =	wrdreg $0xFFFFFFFF  }
0xc4: {  	_ =	task.clear_ibuf [dreg:s9], $0x2FFFF;
	_ =	strace $0x9FFFFFFF  }
0xc5: {  	(tm) =	ssettm $0x7FFFFFFF  }
tec
execute0_lowered:
.L_overlay_start_1:
0x0: {  	(tag) =	ssettag $0x1  }
0x1: {  	s4 =	rddreg [dreg:$0x0]  }
0x2: {  	s2 =	rddreg [dreg:$0x1]  }
0x3: {  	s1 =	srdreg.scid;
	s0 =	stileid.u32  }
0x4: {  	s16 =	rddreg [dreg:$0x2];
	s19 =	sand.u32 $0x1, s1;
	s5 =	sshll.u32 s0, $0x1  }
0x5: {  	s3 =	simm.s32 $0x0;
	s1 =	rddreg [dreg:$0x3];
	s17 =	sor.u32 s19, s5  }
0x6: {  	[smem:$0x7FF] =	sst s3;
	s5 =	sshll.u32 s17, $0x7  }
0x7: {  	_ =	strace $0x80000047;
	s5 =	sadd.s32 s4, s5;
	s4 =	simm.s32 $0x2  }
0x8: {  	[tilespmem:s3], [sflag:$0x2] =	stream.linear.gather [hbm4b:s5+s3], $0x280, $0x38;
	[tilespmem:$0x14400] =	vst v63  }
0x9: {  	_ =	swait.ge [sflag:s4], $0x280  }
0xa: {  	[sflag:s4] =	ssyncset.done $0x0  }
0xb: {  	s6 =	simm.s32 $0x80;
	s7 =	simm.s32 $0x400;
	[sflag:s4] =	ssyncadd.s32 $0xFFFFFD80  }
0xc: {  	[tilespmem:s7], [sflag:$0x1] =	stream.indirect.gather [hbm4b:s2+s6], $0x80, s3, s6, $0xb8;
	[tilespmem:$0x14400] =	vst v63  }
0xd: {  	s8 =	simm.s32 $0x4400  }
0xe: {  	[tilespmem:s8], [sflag:$0x1] =	stream.indirect.gather [hbm4b:s2+s6], $0x80, s6, s6, $0xb8;
	[tilespmem:$0x14400] =	vst v63  }
0xf: {  	s9 =	simm.s32 $0x100;
	s10 =	simm.s32 $0x8400  }
0x10: {  	[tilespmem:s10], [sflag:$0x1] =	stream.indirect.gather [hbm4b:s2+s6], $0x80, s9, s6, $0xb8;
	[tilespmem:$0x14400] =	vst v63  }
0x11: {  	s11 =	simm.s32 $0x180;
	s12 =	simm.s32 $0xC400  }
0x12: {  	[tilespmem:s12], [sflag:$0x1] =	stream.indirect.gather [hbm4b:s2+s6], $0x80, s11, s6, $0xb8;
	[tilespmem:$0x14400] =	vst v63  }
0x13: {  	s13 =	simm.s32 $0x200;
	s14 =	simm.s32 $0x10400;
	s15 =	simm.s32 $0x1  }
0x14: {  	[tilespmem:s14], [sflag:$0x1] =	stream.indirect.gather [hbm4b:s2+s6], $0x80, s13, s6, $0xb8;
	[tilespmem:$0x14400] =	vst v63  }
0x15: {  	_ =	swait.ge [sflag:s15], $0x4000  }
0x16: {  	[sflag:s15] =	ssyncset.done $0x0  }
0x17: {  	[sflag:s15] =	ssyncadd.s32 $0xFFFFC000  }
0x18: {  	_ =	swait.ge [sflag:s15], $0x4000  }
0x19: {  	[sflag:s15] =	ssyncset.done $0x0  }
0x1a: {  	[sflag:s15] =	ssyncadd.s32 $0xFFFFC000  }
0x1b: {  	_ =	swait.ge [sflag:s15], $0x4000  }
0x1c: {  	[sflag:s15] =	ssyncset.done $0x0  }
0x1d: {  	[sflag:s15] =	ssyncadd.s32 $0xFFFFC000  }
0x1e: {  	_ =	swait.ge [sflag:s15], $0x4000  }
0x1f: {  	[sflag:s15] =	ssyncset.done $0x0  }
0x20: {  	[sflag:s15] =	ssyncadd.s32 $0xFFFFC000  }
0x21: {  	_ =	swait.ge [sflag:s15], $0x4000  }
0x22: {  	s17 =	sshll.u32 s17, $0xB;
	[sflag:s15] =	ssyncset.done $0x0  }
0x23: {  	s16 =	sadd.s32 s16, s17;
	[sflag:s15] =	ssyncadd.s32 $0xFFFFC000  }
0x24: {  	[hbm4b:s16+s3] =	stream.linear.scatter [tilespmem:s7], [sflag:$0x2], $0x4000, $0x38;
	[tilespmem:$0x14400] =	vst v63  }
0x25: {  	_ =	swait.ge [sflag:s4], $0x4000  }
0x26: {  	[sflag:s4] =	ssyncset.done $0x0  }
0x27: {  	s17 =	sadd.s32 $0x10000, s16;
	[sflag:s4] =	ssyncadd.s32 $0xFFFFC000  }
0x28: {  	[hbm4b:s17+s3] =	stream.linear.scatter [tilespmem:s8], [sflag:$0x2], $0x4000, $0x38;
	[tilespmem:$0x14400] =	vst v63  }
0x29: {  	_ =	swait.ge [sflag:s4], $0x4000  }
0x2a: {  	[sflag:s4] =	ssyncset.done $0x0  }
0x2b: {  	s20 =	ssub.s32 $0x2, s19;
	s18 =	sadd.s32 $0x20000, s16;
	[sflag:s4] =	ssyncadd.s32 $0xFFFFC000  }
0x2c: {  	[hbm4b:s18+s3] =	stream.linear.scatter [tilespmem:s10], [sflag:$0x2], $0x4000, $0x38;
	[tilespmem:$0x14400] =	vst v63  }
0x2d: {  	s21 =	sshrl.u32 s20, $0x1;
	_ =	swait.ge [sflag:s4], $0x4000  }
0x2e: {  	s21 =	ssub.s32 s20, s21;
	[sflag:s4] =	ssyncset.done $0x0  }
0x2f: {  	s19 =	sadd.s32 $0x30000, s16;
	s21 =	smax.u32 s21, $0x1;
	[sflag:s4] =	ssyncadd.s32 $0xFFFFC000  }
0x30: {  	[hbm4b:s19+s3] =	stream.linear.scatter [tilespmem:s12], [sflag:$0x2], $0x4000, $0x38;
	[tilespmem:$0x14400] =	vst v63  }
0x31: {  	p0 =	sne.s32 s21, $0x1;
	_ =	swait.ge [sflag:s4], $0x4000  }
.Ltmp0:
0x32: {  	[sflag:s4] =	ssyncset.done $0x0;
	(pc) =	sbr.rel @!p0 .LBB2_2-.Ltmp0, $4  }
0x33: {  	s20 =	sadd.s32 $0x40000, s16;
	[sflag:s4] =	ssyncadd.s32 $0xFFFFC000  }
0x34: {  	[hbm4b:s20+s3] =	stream.linear.scatter [tilespmem:s14], [sflag:$0x2], $0x4000, $0x38;
	[tilespmem:$0x14400] =	vst v63  }
0x35: {  	_ =	swait.ge [sflag:s4], $0x4000  }
0x36: {  	s21 =	sadd.s32 $0xFFFFFFFF, s21;
	[sflag:s4] =	ssyncset.done $0x0  }
.LBB2_1:
0x37: {  	p0 =	sne.s32 s21, $0x1;
	s21 =	sadd.s32 $0xFFFFFFFF, s21;
	[sflag:s4] =	ssyncadd.s32 $0xFFFFC000  }
0x38: {  	[tilespmem:s3], [sflag:$0x2] =	stream.linear.gather [hbm4b:s5+s3], $0x280, $0x38;
	[tilespmem:$0x14400] =	vst v63  }
0x39: {  	_ =	swait.ge [sflag:s4], $0x280  }
0x3a: {  	[sflag:s4] =	ssyncset.done $0x0  }
0x3b: {  	[sflag:s4] =	ssyncadd.s32 $0xFFFFFD80  }
0x3c: {  	[tilespmem:s7], [sflag:$0x1] =	stream.indirect.gather [hbm4b:s2+s6], $0x80, s3, s6, $0xb8;
	[tilespmem:$0x14400] =	vst v63  }
0x3d: {  	_ = 	snop  }
0x3e: {  	[tilespmem:s8], [sflag:$0x1] =	stream.indirect.gather [hbm4b:s2+s6], $0x80, s6, s6, $0xb8;
	[tilespmem:$0x14400] =	vst v63  }
0x3f: {  	_ = 	snop  }
0x40: {  	[tilespmem:s10], [sflag:$0x1] =	stream.indirect.gather [hbm4b:s2+s6], $0x80, s9, s6, $0xb8;
	[tilespmem:$0x14400] =	vst v63  }
0x41: {  	_ = 	snop  }
0x42: {  	[tilespmem:s12], [sflag:$0x1] =	stream.indirect.gather [hbm4b:s2+s6], $0x80, s11, s6, $0xb8;
	[tilespmem:$0x14400] =	vst v63  }
0x43: {  	_ = 	snop  }
0x44: {  	[tilespmem:s14], [sflag:$0x1] =	stream.indirect.gather [hbm4b:s2+s6], $0x80, s13, s6, $0xb8;
	[tilespmem:$0x14400] =	vst v63  }
0x45: {  	_ =	swait.ge [sflag:s15], $0x4000  }
0x46: {  	[sflag:s15] =	ssyncset.done $0x0  }
0x47: {  	[sflag:s15] =	ssyncadd.s32 $0xFFFFC000  }
0x48: {  	_ =	swait.ge [sflag:s15], $0x4000  }
0x49: {  	[sflag:s15] =	ssyncset.done $0x0  }
0x4a: {  	[sflag:s15] =	ssyncadd.s32 $0xFFFFC000  }
0x4b: {  	_ =	swait.ge [sflag:s15], $0x4000  }
0x4c: {  	[sflag:s15] =	ssyncset.done $0x0  }
0x4d: {  	[sflag:s15] =	ssyncadd.s32 $0xFFFFC000  }
0x4e: {  	_ =	swait.ge [sflag:s15], $0x4000  }
0x4f: {  	[sflag:s15] =	ssyncset.done $0x0  }
0x50: {  	[sflag:s15] =	ssyncadd.s32 $0xFFFFC000  }
0x51: {  	_ =	swait.ge [sflag:s15], $0x4000  }
0x52: {  	[sflag:s15] =	ssyncset.done $0x0  }
0x53: {  	[sflag:s15] =	ssyncadd.s32 $0xFFFFC000  }
0x54: {  	[hbm4b:s16+s3] =	stream.linear.scatter [tilespmem:s7], [sflag:$0x2], $0x4000, $0x38;
	[tilespmem:$0x14400] =	vst v63  }
0x55: {  	_ =	swait.ge [sflag:s4], $0x4000  }
0x56: {  	[sflag:s4] =	ssyncset.done $0x0  }
0x57: {  	[sflag:s4] =	ssyncadd.s32 $0xFFFFC000  }
0x58: {  	[hbm4b:s17+s3] =	stream.linear.scatter [tilespmem:s8], [sflag:$0x2], $0x4000, $0x38;
	[tilespmem:$0x14400] =	vst v63  }
0x59: {  	_ =	swait.ge [sflag:s4], $0x4000  }
0x5a: {  	[sflag:s4] =	ssyncset.done $0x0  }
0x5b: {  	[sflag:s4] =	ssyncadd.s32 $0xFFFFC000  }
0x5c: {  	[hbm4b:s18+s3] =	stream.linear.scatter [tilespmem:s10], [sflag:$0x2], $0x4000, $0x38;
	[tilespmem:$0x14400] =	vst v63  }
0x5d: {  	_ =	swait.ge [sflag:s4], $0x4000  }
0x5e: {  	[sflag:s4] =	ssyncset.done $0x0  }
0x5f: {  	[sflag:s4] =	ssyncadd.s32 $0xFFFFC000  }
0x60: {  	[hbm4b:s19+s3] =	stream.linear.scatter [tilespmem:s12], [sflag:$0x2], $0x4000, $0x38;
	[tilespmem:$0x14400] =	vst v63  }
0x61: {  	_ =	swait.ge [sflag:s4], $0x4000  }
.Ltmp1:
0x62: {  	[sflag:s4] =	ssyncset.done $0x0;
	(pc) =	sbr.rel @p0 .LBB2_1-.Ltmp1, $4  }
0x63: {  	[sflag:s4] =	ssyncadd.s32 $0xFFFFC000  }
0x64: {  	[hbm4b:s20+s3] =	stream.linear.scatter [tilespmem:s14], [sflag:$0x2], $0x4000, $0x38;
	[tilespmem:$0x14400] =	vst v63  }
0x65: {  	_ =	swait.ge [sflag:s4], $0x4000  }
0x66: {  	[sflag:s4] =	ssyncset.done $0x0  }
.LBB2_2:
0x67: {  	[sflag:s4] =	ssyncadd.s32 $0xFFFFC000  }
0x68: {  	_ =	sfence.sel $0x180000  }
0x69: {  	[bflag:$0x0] =	sbarrier.arrive $0xFFFF  }
0x6a: {  	p0 =	sne.s32 s0, $0x0;
	_ =	strace $0x90000047  }
0x6b: {  	s0 =	sadd.s32 @!p0 $0x100000, s1;
	[bflag:$0x2] =	sbarrier.arrive $0xFFFF  }
0x6c: {  	[sflag:s0] =	ssyncadd.tile.s32 @!p0 $0x1;
	_ =	shalt  }
.Lfunc_end2:
_tile_overlayer_lowered:
.L_overlay_start_2:
0x6d: {  	(tag) =	ssettag $0x2  }
0x6e: {  	s0 =	rddreg [dreg:$0x0];
	s2 =	stileid.u32  }
0x6f: {  	s1 =	rddreg [dreg:$0x1];
	p0 =	sne.s32 s2, $0x0  }
0x70: {  	s3 =	rddreg [dreg:$0x2];
	[bflag:$0x3] =	sbarrier.arrive $0xFFFF;
	s2 =	simm.s32 @!p0 $0x1C02  }
0x71: {  	[timem:s3], [sflag:s2] =	dma.local @!p0 [hbm:s0], s1  }
0x72: {  	s0 =	simm.s32 @!p0 $0x2  }
0x73: {  	_ =	swait.ge @!p0 [sflag:s0], s1  }
0x74: {  	s1 =	ssub.s32 @!p0 $0x0, s1;
	[sflag:s0] =	ssyncset.done @!p0 $0x0  }
0x75: {  	[sflag:s0] =	ssyncadd.s32 @!p0 s1  }
0x76: {  	[bflag:$0x3] =	sbarrier.arrive $0xFFFF  }
0x77: {  	_ =	shalt  }

</sc_bundles>
